<compile_context>
chip_gen: v7x
topology: tpu7x:2x2x1
jax: 0.10.2.dev20260603
libtpu: 0.0.44.dev20260713+nightly
codegen_flags: <defaults>
</compile_context>

<pallas_src>
import jax
import jax.numpy as jnp
from jax import lax
from jax.experimental import pallas as pl
from jax.experimental.pallas import tpu as pltpu
from jax.experimental.pallas import tpu_sc as plsc

_NUM_ROWS = 128
_NUM_COLS = 128
_NC = 1
_NS = 16
_NW = _NC * _NS
_RPW = _NUM_ROWS // _NW
_L = 16
_CH = _NUM_COLS // _L


def _sc_body(nb_hbm, idx_hbm, out_hbm, nb_v, idx_v, out_v, sem_nb, sem_a):
    wid = lax.axis_index("s") * _NC + lax.axis_index("c")
    base = wid * _RPW
    c_nb = pltpu.async_copy(nb_hbm, nb_v.at[pl.ds(0, _NUM_ROWS)], sem_nb)
    c_a = pltpu.async_copy(idx_hbm.at[pl.ds(base, _RPW)], idx_v, sem_a)

    zeros = jnp.zeros((_L,), jnp.int32)
    ones = jnp.ones((_L,), jnp.int32)
    lanes = lax.broadcasted_iota(jnp.int32, (_L,), 0)

    @plsc.parallel_loop(0, _RPW * _CH, unroll=8)
    def _zero(i):
        out_v[i // _CH, pl.ds((i % _CH) * _L, _L)] = zeros

    c_nb.wait()
    c_a.wait()

    @plsc.parallel_loop(0, _RPW * _CH, unroll=16)
    def _scatter(i):
        rl = i // _CH
        g = i % _CH
        nb_r = nb_v[pl.ds(base + rl, _L)][0]
        rows = jnp.full((_L,), rl, jnp.int32)
        mask = (lanes + g * _L) < nb_r
        ids = idx_v[rl, pl.ds(g * _L, _L)]
        plsc.store_scatter(out_v, [rows, ids], ones, mask=mask)
    pltpu.sync_copy(out_v, out_hbm.at[pl.ds(base, _RPW)])


def kernel(kv_num_blocks, kv_indices):
    mesh = plsc.VectorSubcoreMesh(
        core_axis_name="c", subcore_axis_name="s", num_cores=_NC)
    f = pl.kernel(
        _sc_body,
        out_type=jax.ShapeDtypeStruct((_NUM_ROWS, _NUM_COLS), jnp.int32),
        mesh=mesh,
        scratch_types=[
            pltpu.VMEM((_NUM_ROWS + _L,), jnp.int32),
            pltpu.VMEM((_RPW, _NUM_COLS), jnp.int32),
            pltpu.VMEM((_RPW, _NUM_COLS), jnp.int32),
            pltpu.SemaphoreType.DMA,
            pltpu.SemaphoreType.DMA,
        ],
        compiler_params=pltpu.CompilerParams(needs_layout_passes=False),
    )
    return f(kv_num_blocks, kv_indices)

# --- scband reference (transcript-rebuilt; emitter-appended) ---
"""Pipeline reference for scband-my-model-61933428414138 (READ-ONLY COPY).

The authoritative reference and input builder live on the scoring server;
editing this copy changes nothing except your own understanding.
"""

import jax, jax.numpy as jnp
import numpy as np

NUM_ROWS = 128
NUM_COLS = 128


def setup_inputs(seed: int = 0) -> dict:
    key = jax.random.key(seed)
    k1, k2 = jax.random.split(key)
    kv_num_blocks = jax.random.randint(k1, (NUM_ROWS,), 0, NUM_COLS + 1, dtype=jnp.int32)
    kv_indices = jax.random.randint(k2, (NUM_ROWS, NUM_COLS), 0, NUM_COLS, dtype=jnp.int32)
    return {"kv_num_blocks": kv_num_blocks, "kv_indices": kv_indices}


def reference(kv_num_blocks, kv_indices):
    # Faithful translation of the torch module: converts a block-sparse
    # (kv_num_blocks, kv_indices) representation into a dense 0/1 mask.
    num_rows, num_cols = NUM_ROWS, NUM_COLS
    dense_mask = jnp.zeros((num_rows, num_cols + 1), dtype=jnp.int32)
    row_indices = jnp.arange(num_rows, dtype=jnp.int32)[:, None]
    col_indices = jnp.arange(num_cols, dtype=jnp.int32)
    index_mask = col_indices < kv_num_blocks[:, None]
    # invalid slots are routed to the sentinel column num_cols (sliced off below)
    valid_indices = jnp.where(index_mask, kv_indices, num_cols)
    dense_mask = dense_mask.at[row_indices, valid_indices].set(1)
    return dense_mask[:, :num_cols]

if __name__ == "__main__":
    import jax
    _d = setup_inputs()
    print(jax.jit(kernel)(*tuple(_d.values())))

</pallas_src>

<mosaic_0001>
#map = affine_map<(d0, d1) -> (0)>
#map1 = affine_map<(d0, d1) -> (0, 0)>
module attributes {stable_mosaic.version = 14 : i64} {
  func.func @_sc_body(%arg0: i32, %arg1: i32, %arg2: memref<128xi32, #tpu.memory_space<hbm>>, %arg3: memref<128x128xi32, #tpu.memory_space<hbm>>, %arg4: memref<128x128xi32, #tpu.memory_space<hbm>>, %arg5: memref<144xi32, #tpu.memory_space<vmem>>, %arg6: memref<8x128xi32, #tpu.memory_space<vmem>>, %arg7: memref<8x128xi32, #tpu.memory_space<vmem>>, %arg8: memref<!tpu.dma_semaphore, #tpu.memory_space<semaphore_mem>>, %arg9: memref<!tpu.dma_semaphore, #tpu.memory_space<semaphore_mem>>) attributes {dimension_semantics = [#tpu.dimension_semantics<core_parallel>, #tpu.dimension_semantics<subcore_parallel>], iteration_bounds = array<i64: 1, 16>, scalar_prefetch = 0 : i64, scratch_operands = 5 : i64, tpu.core_type = #tpu.core_type<sc_vector_subcore>, window_params = [{transform_indices = #map}, {transform_indices = #map1}, {transform_indices = #map1}]} {
    %mul3A = arith.constant 1 : i32
    %mul3A_0 = arith.muli %arg1, %mul3A : i32
    %add3A = arith.addi %mul3A_0, %arg0 : i32
    %mul3A_1 = arith.constant 8 : i32
    %mul3A_2 = arith.muli %add3A, %mul3A_1 : i32
    %dma_start3A = arith.constant 0 : i32
    %dma_start3A_3 = tpu.memref_slice %arg5[%dma_start3A] : memref<144xi32, #tpu.memory_space<vmem>> -> memref<128xi32, #tpu.memory_space<vmem>>
    %dma_start3A_4 = arith.constant 0 : i32
    %dma_start3A_5 = tpu.memref_slice %arg5[%dma_start3A_4] : memref<144xi32, #tpu.memory_space<vmem>> -> memref<128xi32, #tpu.memory_space<vmem>>
    tpu.enqueue_dma source(%arg2 : memref<128xi32, #tpu.memory_space<hbm>>) target(%dma_start3A_5 : memref<128xi32, #tpu.memory_space<vmem>>) target_semaphore(%arg8 : memref<!tpu.dma_semaphore, #tpu.memory_space<semaphore_mem>>)
    %dma_start3A_6 = arith.constant 0 : i32
    %dma_start3A_7 = tpu.memref_slice %arg3[%mul3A_2, %dma_start3A_6] : memref<128x128xi32, #tpu.memory_space<hbm>> -> memref<8x128xi32, #tpu.memory_space<hbm>>
    %dma_start3A_8 = arith.constant 0 : i32
    %dma_start3A_9 = tpu.memref_slice %arg3[%mul3A_2, %dma_start3A_8] : memref<128x128xi32, #tpu.memory_space<hbm>> -> memref<8x128xi32, #tpu.memory_space<hbm>>
    tpu.enqueue_dma source(%dma_start3A_9 : memref<8x128xi32, #tpu.memory_space<hbm>>) target(%arg6 : memref<8x128xi32, #tpu.memory_space<vmem>>) target_semaphore(%arg9 : memref<!tpu.dma_semaphore, #tpu.memory_space<semaphore_mem>>)
    %broadcast_in_dim3A = arith.constant 0 : i32
    %broadcast_in_dim3A_10 = vector.broadcast %broadcast_in_dim3A : i32 to vector<16xi32>
    %broadcast_in_dim3A_11 = arith.constant 1 : i32
    %broadcast_in_dim3A_12 = vector.broadcast %broadcast_in_dim3A_11 : i32 to vector<16xi32>
    %iota3A = tpu.iota {dimensions = array<i32: 0>} : vector<16xi32>
    %parallel_loop3A = arith.constant 0 : i32
    %parallel_loop3A_13 = arith.constant 64 : i32
    %parallel_loop3A_14 = arith.constant 1 : i32
    scf.for %parallel_loop3A_25 = %parallel_loop3A to %parallel_loop3A_13 step %parallel_loop3A_14  : i32 {
      %parallel_loop3A_26 = arith.constant 8 : i32
      %parallel_loop3A_27 = arith.divsi %parallel_loop3A_25, %parallel_loop3A_26 : i32
      %parallel_loop3A_28 = arith.constant 0 : i32
      %parallel_loop3A_29 = arith.cmpi sgt, %parallel_loop3A_25, %parallel_loop3A_28 : i32
      %parallel_loop3A_30 = arith.extui %parallel_loop3A_29 : i1 to i32
      %parallel_loop3A_31 = arith.constant 0 : i32
      %parallel_loop3A_32 = arith.cmpi slt, %parallel_loop3A_25, %parallel_loop3A_31 : i32
      %parallel_loop3A_33 = arith.extui %parallel_loop3A_32 : i1 to i32
      %parallel_loop3A_34 = arith.subi %parallel_loop3A_30, %parallel_loop3A_33 : i32
      %parallel_loop3A_35 = arith.constant 0 : i32
      %parallel_loop3A_36 = arith.cmpi sgt, %parallel_loop3A_26, %parallel_loop3A_35 : i32
      %parallel_loop3A_37 = arith.extui %parallel_loop3A_36 : i1 to i32
      %parallel_loop3A_38 = arith.constant 0 : i32
      %parallel_loop3A_39 = arith.cmpi slt, %parallel_loop3A_26, %parallel_loop3A_38 : i32
      %parallel_loop3A_40 = arith.extui %parallel_loop3A_39 : i1 to i32
      %parallel_loop3A_41 = arith.subi %parallel_loop3A_37, %parallel_loop3A_40 : i32
      %parallel_loop3A_42 = arith.cmpi ne, %parallel_loop3A_34, %parallel_loop3A_41 : i32
      %parallel_loop3A_43 = arith.remsi %parallel_loop3A_25, %parallel_loop3A_26 : i32
      %parallel_loop3A_44 = arith.constant 0 : i32
      %parallel_loop3A_45 = arith.cmpi ne, %parallel_loop3A_43, %parallel_loop3A_44 : i32
      %parallel_loop3A_46 = arith.andi %parallel_loop3A_42, %parallel_loop3A_45 : i1
      %parallel_loop3A_47 = arith.constant 1 : i32
      %parallel_loop3A_48 = arith.subi %parallel_loop3A_27, %parallel_loop3A_47 : i32
      %parallel_loop3A_49 = arith.select %parallel_loop3A_46, %parallel_loop3A_48, %parallel_loop3A_27 : i32
      %parallel_loop3A_50 = arith.constant 8 : i32
      %parallel_loop3A_51 = arith.constant 0 : i32
      %parallel_loop3A_52 = arith.cmpi eq, %parallel_loop3A_50, %parallel_loop3A_51 : i32
      %parallel_loop3A_53 = arith.constant 1 : i32
      %parallel_loop3A_54 = arith.select %parallel_loop3A_52, %parallel_loop3A_53, %parallel_loop3A_50 : i32
      %parallel_loop3A_55 = arith.remsi %parallel_loop3A_25, %parallel_loop3A_54 : i32
      %parallel_loop3A_56 = arith.constant 0 : i32
      %parallel_loop3A_57 = arith.cmpi ne, %parallel_loop3A_55, %parallel_loop3A_56 : i32
      %parallel_loop3A_58 = arith.constant 0 : i32
      %parallel_loop3A_59 = arith.cmpi slt, %parallel_loop3A_55, %parallel_loop3A_58 : i32
      %parallel_loop3A_60 = arith.constant 0 : i32
      %parallel_loop3A_61 = arith.cmpi slt, %parallel_loop3A_54, %parallel_loop3A_60 : i32
      %parallel_loop3A_62 = arith.xori %parallel_loop3A_59, %parallel_loop3A_61 : i1
      %parallel_loop3A_63 = arith.andi %parallel_loop3A_62, %parallel_loop3A_57 : i1
      %parallel_loop3A_64 = arith.addi %parallel_loop3A_55, %parallel_loop3A_54 : i32
      %parallel_loop3A_65 = arith.select %parallel_loop3A_63, %parallel_loop3A_64, %parallel_loop3A_55 : i32
      %parallel_loop3A_66 = arith.constant 16 : i32
      %parallel_loop3A_67 = arith.muli %parallel_loop3A_65, %parallel_loop3A_66 : i32
      %parallel_loop3A_68 = arith.index_cast %parallel_loop3A_49 : i32 to index
      %parallel_loop3A_69 = arith.index_cast %parallel_loop3A_67 : i32 to index
      %parallel_loop3A_70 = tpu.vector_load %arg7[%parallel_loop3A_68, %parallel_loop3A_69] {strides = array<i32>} : memref<8x128xi32, #tpu.memory_space<vmem>>, vector<16xi32>,
      tpu.vector_store %arg7[%parallel_loop3A_68, %parallel_loop3A_69], %broadcast_in_dim3A_10 {strides = array<i32>} : memref<8x128xi32, #tpu.memory_space<vmem>>, vector<16xi32>,
    } {sc.loop_unroll_factor = 8 : i64, sc.parallel_access}
    %dma_wait3A = arith.constant 0 : i32
    %dma_wait3A_15 = tpu.memref_slice %arg5[%dma_wait3A] : memref<144xi32, #tpu.memory_space<vmem>> -> memref<128xi32, #tpu.memory_space<vmem>>
    %dma_wait3A_16 = arith.constant 0 : i32
    %dma_wait3A_17 = tpu.memref_slice %arg5[%dma_wait3A_16] : memref<144xi32, #tpu.memory_space<vmem>> -> memref<128xi32, #tpu.memory_space<vmem>>
    tpu.wait_dma2 semaphore(%arg8 : memref<!tpu.dma_semaphore, #tpu.memory_space<semaphore_mem>>) src(%arg2 : memref<128xi32, #tpu.memory_space<hbm>>) dst(%dma_wait3A_17 : memref<128xi32, #tpu.memory_space<vmem>>)
    %dma_wait3A_18 = arith.constant 0 : i32
    %dma_wait3A_19 = tpu.memref_slice %arg3[%mul3A_2, %dma_wait3A_18] : memref<128x128xi32, #tpu.memory_space<hbm>> -> memref<8x128xi32, #tpu.memory_space<hbm>>
    %dma_wait3A_20 = arith.constant 0 : i32
    %dma_wait3A_21 = tpu.memref_slice %arg3[%mul3A_2, %dma_wait3A_20] : memref<128x128xi32, #tpu.memory_space<hbm>> -> memref<8x128xi32, #tpu.memory_space<hbm>>
    tpu.wait_dma2 semaphore(%arg9 : memref<!tpu.dma_semaphore, #tpu.memory_space<semaphore_mem>>) src(%dma_wait3A_21 : memref<8x128xi32, #tpu.memory_space<hbm>>) dst(%arg6 : memref<8x128xi32, #tpu.memory_space<vmem>>)
    %parallel_loop3A_22 = arith.constant 0 : i32
    %parallel_loop3A_23 = arith.constant 64 : i32
    %parallel_loop3A_24 = arith.constant 1 : i32
    scf.for %parallel_loop3A_25 = %parallel_loop3A_22 to %parallel_loop3A_23 step %parallel_loop3A_24  : i32 {
      %parallel_loop3A_26 = arith.constant 8 : i32
      %parallel_loop3A_27 = arith.divsi %parallel_loop3A_25, %parallel_loop3A_26 : i32
      %parallel_loop3A_28 = arith.constant 0 : i32
      %parallel_loop3A_29 = arith.cmpi sgt, %parallel_loop3A_25, %parallel_loop3A_28 : i32
      %parallel_loop3A_30 = arith.extui %parallel_loop3A_29 : i1 to i32
      %parallel_loop3A_31 = arith.constant 0 : i32
      %parallel_loop3A_32 = arith.cmpi slt, %parallel_loop3A_25, %parallel_loop3A_31 : i32
      %parallel_loop3A_33 = arith.extui %parallel_loop3A_32 : i1 to i32
      %parallel_loop3A_34 = arith.subi %parallel_loop3A_30, %parallel_loop3A_33 : i32
      %parallel_loop3A_35 = arith.constant 0 : i32
      %parallel_loop3A_36 = arith.cmpi sgt, %parallel_loop3A_26, %parallel_loop3A_35 : i32
      %parallel_loop3A_37 = arith.extui %parallel_loop3A_36 : i1 to i32
      %parallel_loop3A_38 = arith.constant 0 : i32
      %parallel_loop3A_39 = arith.cmpi slt, %parallel_loop3A_26, %parallel_loop3A_38 : i32
      %parallel_loop3A_40 = arith.extui %parallel_loop3A_39 : i1 to i32
      %parallel_loop3A_41 = arith.subi %parallel_loop3A_37, %parallel_loop3A_40 : i32
      %parallel_loop3A_42 = arith.cmpi ne, %parallel_loop3A_34, %parallel_loop3A_41 : i32
      %parallel_loop3A_43 = arith.remsi %parallel_loop3A_25, %parallel_loop3A_26 : i32
      %parallel_loop3A_44 = arith.constant 0 : i32
      %parallel_loop3A_45 = arith.cmpi ne, %parallel_loop3A_43, %parallel_loop3A_44 : i32
      %parallel_loop3A_46 = arith.andi %parallel_loop3A_42, %parallel_loop3A_45 : i1
      %parallel_loop3A_47 = arith.constant 1 : i32
      %parallel_loop3A_48 = arith.subi %parallel_loop3A_27, %parallel_loop3A_47 : i32
      %parallel_loop3A_49 = arith.select %parallel_loop3A_46, %parallel_loop3A_48, %parallel_loop3A_27 : i32
      %parallel_loop3A_50 = arith.constant 8 : i32
      %parallel_loop3A_51 = arith.constant 0 : i32
      %parallel_loop3A_52 = arith.cmpi eq, %parallel_loop3A_50, %parallel_loop3A_51 : i32
      %parallel_loop3A_53 = arith.constant 1 : i32
      %parallel_loop3A_54 = arith.select %parallel_loop3A_52, %parallel_loop3A_53, %parallel_loop3A_50 : i32
      %parallel_loop3A_55 = arith.remsi %parallel_loop3A_25, %parallel_loop3A_54 : i32
      %parallel_loop3A_56 = arith.constant 0 : i32
      %parallel_loop3A_57 = arith.cmpi ne, %parallel_loop3A_55, %parallel_loop3A_56 : i32
      %parallel_loop3A_58 = arith.constant 0 : i32
      %parallel_loop3A_59 = arith.cmpi slt, %parallel_loop3A_55, %parallel_loop3A_58 : i32
      %parallel_loop3A_60 = arith.constant 0 : i32
      %parallel_loop3A_61 = arith.cmpi slt, %parallel_loop3A_54, %parallel_loop3A_60 : i32
      %parallel_loop3A_62 = arith.xori %parallel_loop3A_59, %parallel_loop3A_61 : i1
      %parallel_loop3A_63 = arith.andi %parallel_loop3A_62, %parallel_loop3A_57 : i1
      %parallel_loop3A_64 = arith.addi %parallel_loop3A_55, %parallel_loop3A_54 : i32
      %parallel_loop3A_65 = arith.select %parallel_loop3A_63, %parallel_loop3A_64, %parallel_loop3A_55 : i32
      %parallel_loop3A_66 = arith.addi %mul3A_2, %parallel_loop3A_49 : i32
      %parallel_loop3A_67 = arith.index_cast %parallel_loop3A_66 : i32 to index
      %parallel_loop3A_68 = tpu.vector_load %arg5[%parallel_loop3A_67] {strides = array<i32>} : memref<144xi32, #tpu.memory_space<vmem>>, vector<16xi32>,
      %parallel_loop3A_69 = vector.extract_strided_slice %parallel_loop3A_68 {offsets = [0], sizes = [1], strides = [1]} : vector<16xi32> to vector<1xi32>
      %parallel_loop3A_70 = vector.extract %parallel_loop3A_69[0] : i32 from vector<1xi32>
      %parallel_loop3A_71 = vector.broadcast %parallel_loop3A_49 : i32 to vector<16xi32>
      %parallel_loop3A_72 = arith.constant 16 : i32
      %parallel_loop3A_73 = arith.muli %parallel_loop3A_65, %parallel_loop3A_72 : i32
      %parallel_loop3A_74 = vector.broadcast %parallel_loop3A_73 : i32 to vector<16xi32>
      %parallel_loop3A_75 = arith.addi %iota3A, %parallel_loop3A_74 : vector<16xi32>
      %parallel_loop3A_76 = vector.broadcast %parallel_loop3A_70 : i32 to vector<16xi32>
      %parallel_loop3A_77 = arith.cmpi slt, %parallel_loop3A_75, %parallel_loop3A_76 : vector<16xi32>
      %parallel_loop3A_78 = arith.constant 16 : i32
      %parallel_loop3A_79 = arith.muli %parallel_loop3A_65, %parallel_loop3A_78 : i32
      %parallel_loop3A_80 = arith.index_cast %parallel_loop3A_49 : i32 to index
      %parallel_loop3A_81 = arith.index_cast %parallel_loop3A_79 : i32 to index
      %parallel_loop3A_82 = tpu.vector_load %arg6[%parallel_loop3A_80, %parallel_loop3A_81] {strides = array<i32>} : memref<8x128xi32, #tpu.memory_space<vmem>>, vector<16xi32>,
      tpu.vector_store_idx %arg7[%parallel_loop3A_71, %parallel_loop3A_82], %broadcast_in_dim3A_12 masked %parallel_loop3A_77 : memref<8x128xi32, #tpu.memory_space<vmem>>[vector<16xi32>, vector<16xi32>], vector<16xi32>, vector<16xi1>
    } {sc.loop_unroll_factor = 16 : i64, sc.parallel_access}
    "tpu.region"() ({
      %run_scoped3A = tpu.sem_alloc : memref<!tpu.dma_semaphore, #tpu.memory_space<semaphore_mem>>
      %dma_start3A_25 = arith.constant 0 : i32
      %dma_start3A_26 = tpu.memref_slice %arg4[%mul3A_2, %dma_start3A_25] : memref<128x128xi32, #tpu.memory_space<hbm>> -> memref<8x128xi32, #tpu.memory_space<hbm>>
      %dma_start3A_27 = arith.constant 0 : i32
      %dma_start3A_28 = tpu.memref_slice %arg4[%mul3A_2, %dma_start3A_27] : memref<128x128xi32, #tpu.memory_space<hbm>> -> memref<8x128xi32, #tpu.memory_space<hbm>>
      tpu.enqueue_dma source(%arg7 : memref<8x128xi32, #tpu.memory_space<vmem>>) target(%dma_start3A_28 : memref<8x128xi32, #tpu.memory_space<hbm>>) target_semaphore(%run_scoped3A : memref<!tpu.dma_semaphore, #tpu.memory_space<semaphore_mem>>)
      %dma_wait3A_29 = arith.constant 0 : i32
      %dma_wait3A_30 = tpu.memref_slice %arg4[%mul3A_2, %dma_wait3A_29] : memref<128x128xi32, #tpu.memory_space<hbm>> -> memref<8x128xi32, #tpu.memory_space<hbm>>
      %dma_wait3A_31 = arith.constant 0 : i32
      %dma_wait3A_32 = tpu.memref_slice %arg4[%mul3A_2, %dma_wait3A_31] : memref<128x128xi32, #tpu.memory_space<hbm>> -> memref<8x128xi32, #tpu.memory_space<hbm>>
      tpu.wait_dma2 semaphore(%run_scoped3A : memref<!tpu.dma_semaphore, #tpu.memory_space<semaphore_mem>>) src(%arg7 : memref<8x128xi32, #tpu.memory_space<vmem>>) dst(%dma_wait3A_32 : memref<8x128xi32, #tpu.memory_space<hbm>>)
      tpu.yield
    }) : () -> ()
    return
  }
}

</mosaic_0001>

<sc_bundles>
// kernel: kernel.3.cloned.1.call-start
scs
__scs_entry_jumppad:
0x0: {  	(pc) =	sbr.rel $0x88, $3  }
0x1: {  	(tag) =	ssettag $0x0;
	lr =	simm.s32 $0x1  }
0x2: {  	[smem:$0x3F9F] =	sst lr;
	_ =	strace $0xD0000000  }
0x3: {  	_ = 	snop  }
0x4: {  	_ = 	snop  }
0x5: {  	_ = 	snop  }
0x6: {  	_ = 	snop  }
0x7: {  	_ = 	snop  }
__scs_overlays_trampoline_lowered:
0x8: {  	[smem:$0x3FAE] =	sst s0  }
0x9: {  	[smem:$0x3FAF] =	sst s1  }
0xa: {  	[smem:$0x3FB0] =	sst s2  }
0xb: {  	[smem:$0x3FB1] =	sst s3  }
0xc: {  	[smem:$0x3FB2] =	sst s4  }
0xd: {  	[smem:$0x3FB3] =	sst s5  }
0xe: {  	[smem:$0x3FB4] =	sst s6  }
0xf: {  	[smem:$0x3FB5] =	sst s7  }
0x10: {  	[smem:$0x3FB6] =	sst s8  }
0x11: {  	[smem:$0x3FB7] =	sst s9;
	s0 =	simm.s32 @!p0 $0x0  }
0x12: {  	s1 =	sld [smem:$0x3F9D];
	s0 =	simm.s32 @p0 $0x1  }
0x13: {  	[smem:$0x3FB8] =	sst s0;
	s0 =	simm.s32 @!p1 $0x0  }
0x14: {  	s2 =	sld [smem:$0x3F9C];
	s0 =	simm.s32 @p1 $0x1  }
0x15: {  	[smem:$0x3FB9] =	sst s0;
	s0 =	simm.s32 @!p2 $0x0  }
0x16: {  	s3 =	sld [smem:$0x3FDB];
	s0 =	simm.s32 @p2 $0x1  }
0x17: {  	s4 =	simm.s32 $0x1BF5;
	[smem:$0x3FBB] =	sst s0  }
0x18: {  	s0 =	sld [smem:$0x3F9E];
	_ =	swait.ge [sflag:s4], $0x0  }
0x19: {  	s7 =	sld [smem:$0x3F9F]  }
0x1a: {  	s8 =	sadd.s32 $0xFFFFE003, lr  }
0x1b: {  	s9 =	sadd.s32 $0xFFFFFEF7, lr;
	s5 =	simm.s32 $0xFFFFFFFF;
	p2 =	slt.u32 s8, $0xFFFFF086  }
0x1c: {  	p1 =	slt.u32 s9, $0xF7A;
	s5 =	simm.s32 @!p2 $0x0  }
0x1d: {  	s5 =	simm.s32 @p1 $0x1;
	p0 =	seq.s32 s7, s2  }
0x1e: {  	s7 =	smul.u32 @!p0 $0xF7A, s2;
	p2 =	seq.s32 @!p0 s5, $0x0  }
0x1f: {  	s9 =	smul.u32 $0xF7A, s1;
	s8 =	simm.s32 @!p0 $0x1BF5;
	p2 =	por !p2, p0  }
0x20: {  	[sflag:s8] =	ssyncset.s32 @!p0 $0xFFFFF086;
	s6 =	sadd.s32 @!p0 s3, s7;
	s7 =	simm.s32 @!p0 $0x108  }
0x21: {  	s3 =	sadd.s32 s3, s9;
	s6 =	sadd.s32 @!p0 $0x88, s6;
	s7 =	simm.s32 @p2 $0x1082  }
0x22: {  	[simem:s7], [sflag:s8] =	dma.local @!p0 [hbm:s6], $0xF7A  }
0x23: {  	s9 =	sor.u32 $0xD0000000, s2;
	s6 =	simm.s32 $0x108;
	_ =	swait.ge @!p0 [sflag:s8], $0x0  }
0x24: {  	s3 =	sadd.s32 $0x88, s3;
	s6 =	simm.s32 @!p1 $0x1082;
	[sflag:s4] =	ssyncset.s32 $0xFFFFF086  }
0x25: {  	[simem:s6], [sflag:s4] =	dma.local [hbm:s3], $0xF7A  }
0x26: {  	[smem:$0x3F9F] =	sst s1;
	(tag) =	ssettag s2;
	_ =	strace s9  }
0x27: {  	s1 =	sld [smem:$0x3FAF]  }
0x28: {  	s2 =	sld [smem:$0x3FB0]  }
0x29: {  	s4 =	sld [smem:$0x3FB2]  }
0x2a: {  	p0 =	seq.s32 s5, $0x0;
	s5 =	sld [smem:$0x3FB3]  }
0x2b: {  	s6 =	sld [smem:$0x3FB4]  }
0x2c: {  	s7 =	sld [smem:$0x3FB5]  }
0x2d: {  	s3 =	simm.s32 $0x108;
	s8 =	sld [smem:$0x3FB6]  }
0x2e: {  	s3 =	simm.s32 @!p0 $0x1082;
	s9 =	sld [smem:$0x3FB7]  }
0x2f: {  	lr =	sadd.s32 s0, s3;
	s0 =	sld [smem:$0x3FAE]  }
0x30: {  	s3 =	sld [smem:$0x3FB1]  }
0x31: {  	[smem:$0x3FBA] =	sst s10  }
0x32: {  	s10 =	sld [smem:$0x3FB8];
	_ =	sdelay $0x3  }
0x33: {  	p0 =	seq.s32 s10, $0x1;
	s10 =	sld [smem:$0x3FBA];
	_ =	sdelay $0x3  }
0x34: {  	[smem:$0x3FBA] =	sst s10  }
0x35: {  	s10 =	sld [smem:$0x3FB9];
	_ =	sdelay $0x3  }
0x36: {  	p1 =	seq.s32 s10, $0x1;
	s10 =	sld [smem:$0x3FBA];
	_ =	sdelay $0x3  }
0x37: {  	[smem:$0x3FBA] =	sst s10  }
0x38: {  	s10 =	sld [smem:$0x3FBB]  }
0x39: {  	_ = 	snop;
	(pc) =	sbr.ind lr, $3  }
0x3a: {  	_ = 	snop  }
0x3b: {  	_ = 	snop  }
0x3c: {  	p2 =	seq.s32 s10, $0x1;
	s10 =	sld [smem:$0x3FBA]  }
0x3d: {  	_ =	shalt  }
0x3e: {  	_ =	shalt  }
0x3f: {  	_ =	shalt  }
0x40: {  	_ =	shalt  }
0x41: {  	_ =	shalt  }
0x42: {  	_ =	shalt  }
0x43: {  	_ =	shalt  }
0x44: {  	_ =	shalt  }
0x45: {  	_ =	shalt  }
0x46: {  	_ =	shalt  }
0x47: {  	_ =	shalt  }
0x48: {  	_ =	shalt  }
0x49: {  	_ =	shalt  }
0x4a: {  	_ =	shalt  }
0x4b: {  	_ =	shalt  }
0x4c: {  	_ =	shalt  }
0x4d: {  	_ =	shalt  }
0x4e: {  	_ =	shalt  }
0x4f: {  	_ =	shalt  }
0x50: {  	_ =	shalt  }
0x51: {  	_ =	shalt  }
0x52: {  	_ =	shalt  }
0x53: {  	_ =	shalt  }
0x54: {  	_ =	shalt  }
0x55: {  	_ =	shalt  }
0x56: {  	_ =	shalt  }
0x57: {  	_ =	shalt  }
0x58: {  	_ =	shalt  }
0x59: {  	_ =	shalt  }
0x5a: {  	_ =	shalt  }
0x5b: {  	_ =	shalt  }
0x5c: {  	_ =	shalt  }
0x5d: {  	_ =	shalt  }
0x5e: {  	_ =	shalt  }
0x5f: {  	_ =	shalt  }
0x60: {  	_ =	shalt  }
0x61: {  	_ =	shalt  }
0x62: {  	_ =	shalt  }
0x63: {  	_ =	shalt  }
0x64: {  	_ =	shalt  }
0x65: {  	_ =	shalt  }
0x66: {  	_ =	shalt  }
0x67: {  	_ =	shalt  }
0x68: {  	_ =	shalt  }
0x69: {  	_ =	shalt  }
0x6a: {  	_ =	shalt  }
0x6b: {  	_ =	shalt  }
0x6c: {  	_ =	shalt  }
0x6d: {  	_ =	shalt  }
0x6e: {  	_ =	shalt  }
0x6f: {  	_ =	shalt  }
0x70: {  	_ =	shalt  }
0x71: {  	_ =	shalt  }
0x72: {  	_ =	shalt  }
0x73: {  	_ =	shalt  }
0x74: {  	_ =	shalt  }
0x75: {  	_ =	shalt  }
0x76: {  	_ =	shalt  }
0x77: {  	_ =	shalt  }
0x78: {  	_ =	shalt  }
0x79: {  	_ =	shalt  }
0x7a: {  	_ =	shalt  }
0x7b: {  	_ =	shalt  }
0x7c: {  	_ =	shalt  }
0x7d: {  	_ =	shalt  }
0x7e: {  	_ =	shalt  }
0x7f: {  	_ =	shalt  }
0x80: {  	_ =	shalt  }
0x81: {  	_ =	shalt  }
0x82: {  	_ =	shalt  }
0x83: {  	_ =	shalt  }
0x84: {  	_ =	shalt  }
0x85: {  	_ =	shalt  }
0x86: {  	_ =	shalt  }
0x87: {  	_ =	shalt  }
.Lfunc_end0:
.L_simem_size_0:
called_computation_lowered:
.L_overlay_start_0:
0x88: {  	s0 =	sld [smem:$0x3FD9]  }
0x89: {  	s1 =	sld [smem:$0x3FFE];
	_ =	sdelay $0x3  }
0x8a: {  	s0 =	sadd.s32 s1, s0  }
0x8b: {  	[smem:$0x3FC6] =	sst s0  }
0x8c: {  	_ = 	snop  }
0x8d: {  	s0 =	sld [smem:$0x3FC9]  }
0x8e: {  	s17 =	sld [smem:$0x3FC8]  }
0x8f: {  	s2 =	sld [smem:$0x3FD0];
	(tm) =	ssettm $0x1  }
0x90: {  	s3 =	sld [smem:$0x3FFB];
	_ =	sdelay $0x3  }
0x91: {  	_ =	strace s3  }
0x92: {  	s3 =	sld [smem:$0x3FFC];
	_ =	sdelay $0x3  }
0x93: {  	_ =	strace s3  }
0x94: {  	s3 =	sld [smem:$0x3FFD];
	_ =	sdelay $0x3  }
0x95: {  	_ =	strace s3  }
0x96: {  	_ =	strace $0x8FFFFFFF  }
0x97: {  	s18 =	sld [smem:$0x3FDB];
	_ =	sdelay $0x1  }
0x98: {  	s4 =	simm.s32 $_scs_section_size  }
0x99: {  	s5 =	simm.s32 $_size__tile_overlayer_lowered;
	s6 =	simm.s32 $_tile_overlayer_lowered  }
0x9a: {  	s21 =	simm.s32 $0x1BFF;
	s20 =	sshll.u32 s6, $0x1;
	s3 =	sadd.s32 s4, s18  }
0x9b: {  	s7 =	simm.s32 $0x0;
	s19 =	sshll.u32 s5, $0x1;
	s5 =	sadd.s32 s20, s3  }
0x9c: {  	[timem:s7], [sflag:s21] =	dma.local [hbm:s5], s19  }
0x9d: {  	_ =	swait.ge [sflag:s21], s19  }
0x9e: {  	s4 =	ssub.s32 $0x0, s19;
	[sflag:s21] =	ssyncset.done $0x0  }
0x9f: {  	[sflag:s21] =	ssyncadd.s32 s4;
	_ =	sdelay $0x1  }
0xa0: {  	s22 =	simm.s32 $0x1B8B  }
0xa1: {  	_ =	swait.ge [sflag:s22], $0x1  }
0xa2: {  	[sflag:s22] =	ssyncset.done $0x0  }
0xa3: {  	s23 =	simm.s32 $0x1B8E;
	[sflag:s22] =	ssyncadd.s32 $0xFFFFFFFF  }
0xa4: {  	s24 =	simm.s32 $execute0_lowered;
	[smem:$0x3FD2] =	sst s23  }
0xa5: {  	s4 =	sshll.u32 s24, $0x1;
	_ =	strace $0x80000046;
	[dreg:$0x1] =	wrdreg $0xFFFFFFFF  }
0xa6: {  	s25 =	simm.s32 $_size_execute0_lowered;
	s3 =	sadd.s32 s3, s4;
	[dreg:$0x0] =	wrdreg $0x0  }
0xa7: {  	s4 =	sshll.u32 s25, $0x1;
	[dreg:$0x2] =	wrdreg s3  }
0xa8: {  	[dreg:$0x3] =	wrdreg s4  }
0xa9: {  	[dreg:$0x4] =	wrdreg $0xC0  }
0xaa: {  	_ =	task [dreg:s7], $0x5FFFF  }
0xab: {  	[dreg:$0x1] =	wrdreg $0xFFFFFFFF  }
0xac: {  	[dreg:$0x0] =	wrdreg $0x60  }
0xad: {  	[dreg:$0x2] =	wrdreg s0  }
0xae: {  	[dreg:$0x3] =	wrdreg s17  }
0xaf: {  	[dreg:$0x4] =	wrdreg s2  }
0xb0: {  	[dreg:$0x5] =	wrdreg $0x9  }
0xb1: {  	_ =	task.clear_ibuf [dreg:s7], $0x6FFFF;
	_ =	strace $0x90000046  }
0xb2: {  	s26 =	simm.s32 $0x9;
	_ =	strace $0x80000048  }
0xb3: {  	_ =	swait.ge [sflag:s26], $0x1  }
0xb4: {  	[sflag:s26] =	ssyncadd.s32 $0xFFFFFFFF  }
0xb5: {  	_ =	strace $0x90000048  }
0xb6: {  	_ =	sfence  }
0xb7: {  	s28 =	sld [smem:$0x0];
	_ =	sdelay $0x1  }
0xb8: {  	s29 =	srdreg.scid  }
0xb9: {  	s30 =	sshll.u32 s29, $0xD;
	s31 =	sshrl.u32 s29, $0x2  }
0xba: {  	s1 =	sand.u32 $0x1, s29;
	s2 =	sand.u32 $0x4000, s30;
	s0 =	sadd.s32 s31, s28  }
0xbb: {  	s1 =	sor.u32 s2, s1;
	s0 =	sshll.u32 s0, $0x11  }
0xbc: {  	s0 =	sor.u32 s0, s1  }
0xbd: {  	s0 =	sadd.s32 $0x8F2B, s0  }
0xbe: {  	[sflag:s0] =	ssyncadd.remote.s32 $0x1  }
0xbf: {  	_ =	sfence.sel $0xFFFF  }
0xc0: {  	[dreg:$0x0] =	wrdreg $0xFFFFFFFF;
	(pc) =	sbr.abs _section_cstart, $3  }
0xc1: {  	[dreg:$0x1] =	wrdreg $0xFFFFFFFF  }
0xc2: {  	_ =	task.clear_ibuf [dreg:s7], $0x2FFFF;
	_ =	strace $0x9FFFFFFF  }
0xc3: {  	(tm) =	ssettm $0x7FFFFFFF  }
tec
execute0_lowered:
.L_overlay_start_1:
0x0: {  	(tag) =	ssettag $0x1  }
0x1: {  	s4 =	rddreg [dreg:$0x0]  }
0x2: {  	s5 =	rddreg [dreg:$0x1]  }
0x3: {  	s2 =	rddreg [dreg:$0x2];
	s6 =	simm.s32 $0x0  }
0x4: {  	s1 =	stileid.u32;
	[smem:$0x7FF] =	sst s6  }
0x5: {  	s0 =	rddreg [dreg:$0x3];
	s3 =	sshll.u32 s1, $0x7;
	_ =	strace $0x80000047  }
0x6: {  	[tilespmem:s6], [sflag:$0x1] =	stream.linear.gather [hbm4b:s4+s6], $0x80, $0x38;
	[tilespmem:$0x900] =	vst v63  }
0x7: {  	s31 =	simm.s32 $0x100;
	s30 =	sadd.s32 s5, s3;
	s4 =	simm.s32 $0x540  }
0x8: {  	v0 =	vimm.s32 $0x0;
	[tilespmem:s31], [sflag:$0x2] =	stream.linear.gather [hbm4b:s30+s6], $0x400, $0x38;
	[tilespmem:$0x900] =	vst v63  }
0x9: {  	[tilespmem:s4+$0xFFFFFFC0] =	vst v0  }
0xa: {  	[tilespmem:s4+$0x30] =	vst v0  }
0xb: {  	[tilespmem:s4+$0x20] =	vst v0  }
0xc: {  	[tilespmem:s4+$0x10] =	vst v0  }
0xd: {  	[tilespmem:s4+$0x0] =	vst v0  }
0xe: {  	[tilespmem:s4+$0xFFFFFFF0] =	vst v0  }
0xf: {  	s5 =	simm.s32 $0x0;
	[tilespmem:s4+$0xFFFFFFE0] =	vst v0  }
.LBB2_1:
0x10: {  	s5 =	sadd.s32 $0x8, s5;
	[tilespmem:s4+$0xFFFFFFD0] =	vst v0;
	s4 =	sadd.s32 $0x80, s4  }
0x11: {  	[tilespmem:s4+$0xFFFFFFC0] =	vst v0;
	p0 =	slt.u32 s5, $0x38  }
0x12: {  	[tilespmem:s4+$0x30] =	vst v0  }
.Ltmp0:
0x13: {  	[tilespmem:s4+$0x20] =	vst v0;
	(pc) =	sbr.rel @p0 .LBB2_1-.Ltmp0, $4  }
0x14: {  	[tilespmem:s4+$0x10] =	vst v0  }
0x15: {  	[tilespmem:s4+$0x0] =	vst v0  }
0x16: {  	[tilespmem:s4+$0xFFFFFFF0] =	vst v0  }
0x17: {  	[tilespmem:s4+$0xFFFFFFE0] =	vst v0  }
0x18: {  	[tilespmem:s4+$0xFFFFFFD0] =	vst v0;
	s29 =	simm.s32 $0x1  }
0x19: {  	_ =	swait.ge [sflag:s29], $0x80  }
0x1a: {  	[sflag:s29] =	ssyncset.done $0x0  }
0x1b: {  	s30 =	simm.s32 $0x2;
	[sflag:s29] =	ssyncadd.s32 $0xFFFFFF80  }
0x1c: {  	_ =	swait.ge [sflag:s30], $0x400  }
0x1d: {  	s5 =	sshll.u32 s1, $0x3;
	[sflag:s30] =	ssyncset.done $0x0  }
0x1e: {  	s8 =	sor.u32 $0x1, s5;
	[sflag:s30] =	ssyncadd.s32 $0xFFFFFC00  }
0x1f: {  	s4 =	simm.s32 $0x180;
	v3 =	vld.msk [tilespmem:s8+$0x0 ss:$0x0], $0xffff  }
0x20: {  	v10 =	vld [tilespmem:s4+$0x70]  }
0x21: {  	v11 =	vld [tilespmem:s4+$0xFFFFFF80]  }
0x22: {  	v12 =	vld [tilespmem:s4+$0xFFFFFF90]  }
0x23: {  	v13 =	vld [tilespmem:s4+$0xFFFFFFA0]  }
0x24: {  	v14 =	vld [tilespmem:s4+$0xFFFFFFB0]  }
0x25: {  	v15 =	vld [tilespmem:s4+$0xFFFFFFC0]  }
0x26: {  	v7 =	vlaneseq.u32;
	v20 =	vld [tilespmem:s4+$0xFFFFFFE0]  }
0x27: {  	v0 =	vimm.s32 $0x1;
	v8 =	vor.u32 $0x10, v7;
	v21 =	vld [tilespmem:s4+$0x10]  }
0x28: {  	v6 =	vor.u32 $0x20, v7;
	v5 =	vor.u32 $0x30, v7;
	v4 =	vor.u32 $0x40, v7;
	v22 =	vld [tilespmem:s4+$0x20]  }
0x29: {  	v2 =	vor.u32 $0x50, v7;
	v1 =	vor.u32 $0x60, v7;
	v9 =	vor.u32 $0x70, v7;
	v26 =	vld [tilespmem:s4+$0x30]  }
0x2a: {  	v24 =	vld.msk [tilespmem:s8+$0xFFFFFFFF ss:$0x0], $0xffff;
	vm0 =	vgt.s32 v3, v7;
	vm1 =	vgt.s32 v3, v8;
	v16 =	vand.u32 $0xFFFFFF80, v10  }
0x2b: {  	vm2 =	vgt.s32 v3, v9;
	v10 =	vand.u32 $0x7F, v10;
	v18 =	vand.u32 $0xFFFFFF80, v11  }
0x2c: {  	v19 =	vand.u32 $0xFFFFFF80, v12;
	v33 =	vand.u32 $0x7F, v11;
	v34 =	vand.u32 $0x7F, v12  }
0x2d: {  	v38 =	vand.u32 $0x7F, v13;
	v40 =	vand.u32 $0x7F, v14;
	v11 =	vand.u32 $0xFFFFFF80, v20  }
0x2e: {  	v41 =	vand.u32 $0x7F, v15;
	v20 =	vand.u32 $0x7F, v20;
	v25 =	vand.u32 $0x7F, v21  }
0x2f: {  	v35 =	vld [tilespmem:s4+$0x50];
	v28 =	vand.u32 $0x7F, v22;
	v29 =	vand.u32 $0x7F, v26;
	vm6 =	vgt.s32 v24, v7  }
0x30: {  	s6 =	simm.s32 $0x80;
	s31 =	simm.s32 $0x0;
	v17 =	vld [tilespmem:s4+$0xFFFFFFD0];
	vm13 =	vgt.s32 v24, v8;
	vm12 =	vgt.s32 v24, v6;
	vm11 =	vgt.s32 v24, v5  }
0x31: {  	vm8 =	vgt.s32 v24, v4;
	v16 =	vadd.s32 s6, v16;
	v31 =	vadd.s32 s31, v18  }
0x32: {  	v32 =	vadd.s32 s31, v19;
	v27 =	vor.u32 v10, v16;
	v10 =	vand.u32 $0xFFFFFF80, v13  }
0x33: {  	v12 =	vadd.s32 s31, v11;
	v34 =	vor.u32 v34, v32;
	v36 =	vadd.s32 s31, v10  }
0x34: {  	v18 =	vld [tilespmem:s4+$0x0];
	v10 =	vand.u32 $0xFFFFFF80, v14;
	v14 =	vand.u32 $0xFFFFFF80, v21;
	v21 =	vand.u32 $0xFFFFFF80, v35  }
0x35: {  	v30 =	vld [tilespmem:s4+$0x40];
	v37 =	vadd.s32 s31, v10;
	v10 =	vand.u32 $0xFFFFFF80, v15;
	v15 =	vand.u32 $0x7F, v17  }
0x36: {  	v16 =	vld [tilespmem:s4+$0xFFFFFFF0];
	v14 =	vadd.s32 s6, v14;
	v21 =	vadd.s32 s6, v21;
	v39 =	vadd.s32 s31, v10  }
0x37: {  	v10 =	vand.u32 $0xFFFFFF80, v17;
	v17 =	vand.u32 $0xFFFFFF80, v26;
	v26 =	vand.u32 $0x7F, v35  }
0x38: {  	v42 =	vld [tilespmem:s4+$0x60];
	v35 =	vor.u32 v33, v31;
	v33 =	vor.u32 v38, v36;
	v32 =	vor.u32 v40, v37  }
0x39: {  	v10 =	vadd.s32 s31, v10;
	v13 =	vand.u32 $0xFFFFFF80, v18;
	v23 =	vand.u32 $0x7F, v18  }
0x3a: {  	v17 =	vadd.s32 s6, v17;
	v18 =	vand.u32 $0xFFFFFF80, v30;
	v30 =	vand.u32 $0x7F, v30  }
0x3b: {  	v31 =	vor.u32 v41, v39;
	v11 =	vand.u32 $0xFFFFFF80, v16;
	v13 =	vadd.s32 s6, v13  }
0x3c: {  	s5 =	simm.s32 $0x500;
	v19 =	vand.u32 $0x7F, v16;
	v16 =	vand.u32 $0xFFFFFF80, v22;
	v18 =	vadd.s32 s6, v18  }
0x3d: {  	v22 =	vand.u32 $0xFFFFFF80, v42;
	[tilespmem:v27+s5+$0x0] =	vst.idx.msk vm2, v0;
	v27 =	vand.u32 $0x7F, v42;
	vm2 =	vgt.s32 v24, v2  }
0x3e: {  	s7 =	simm.s32 $0x0;
	s8 =	sadd.s32 $0x2, s8;
	v11 =	vadd.s32 s31, v11;
	v16 =	vadd.s32 s6, v16;
	v22 =	vadd.s32 s6, v22;
	s6 =	simm.s32 $0x0  }
.LBB2_3:
0x3f: {  	v10 =	vor.u32 v15, v10;
	vm14 =	vgt.s32 v24, v1  }
0x40: {  	v36 =	vld.msk [tilespmem:s8+$0x0 ss:$0x0], $0xffff;
	v12 =	vor.u32 v20, v12;
	s4 =	sadd.s32 $0x100, s4;
	vm9 =	vmmov vm0;
	vm4 =	vmmov vm1  }
0x41: {  	s7 =	sadd.s32 $0x10, s7;
	vm15 =	vgt.s32 v24, v9;
	v11 =	vor.u32 v19, v11;
	v13 =	vor.u32 v23, v13;
	v15 =	vld [tilespmem:s4+$0x70]  }
0x42: {  	v14 =	vor.u32 v25, v14;
	vm10 =	vgt.s32 v3, v6;
	v16 =	vor.u32 v28, v16;
	p0 =	slt.u32 s7, $0x30;
	v19 =	vld [tilespmem:s4+$0xFFFFFF80]  }
0x43: {  	vm7 =	vgt.s32 v3, v5;
	v17 =	vor.u32 v29, v17;
	vm5 =	vgt.s32 v3, v4;
	v20 =	vld [tilespmem:s4+$0xFFFFFF90]  }
0x44: {  	v18 =	vor.u32 v30, v18;
	vm3 =	vgt.s32 v3, v2;
	v21 =	vor.u32 v26, v21;
	s6 =	sadd.s32 $0x2, s6;
	v23 =	vld [tilespmem:s4+$0xFFFFFFA0]  }
0x45: {  	v22 =	vor.u32 v27, v22;
	s10 =	sshll.u32 s6, $0x7;
	v24 =	vld [tilespmem:s4+$0xFFFFFFB0];
	[tilespmem:v35+s5+$0x0] =	vst.idx.msk vm6, v0;
	vm6 =	vgt.s32 v3, v1  }
0x46: {  	s9 =	sadd.s32 $0x80, s10;
	vm0 =	vgt.s32 v36, v7;
	vm1 =	vgt.s32 v36, v8;
	v25 =	vld [tilespmem:s4+$0xFFFFFFC0];
	v28 =	vand.u32 $0xFFFFFF80, v15;
	[tilespmem:v34+s5+$0x0] =	vst.idx.msk vm13, v0  }
0x47: {  	v3 =	vmovc v36;
	vm13 =	vgt.s32 v36, v9;
	v15 =	vand.u32 $0x7F, v15;
	v26 =	vld [tilespmem:s4+$0xFFFFFFD0];
	v27 =	vadd.s32 s9, v28;
	[tilespmem:v33+s5+$0x0] =	vst.idx.msk vm12, v0  }
0x48: {  	v28 =	vand.u32 $0xFFFFFF80, v19;
	v29 =	vand.u32 $0xFFFFFF80, v20;
	v30 =	vld [tilespmem:s4+$0xFFFFFFE0];
	v15 =	vor.u32 v15, v27;
	[tilespmem:v32+s5+$0x0] =	vst.idx.msk vm11, v0  }
0x49: {  	v27 =	vadd.s32 s10, v28;
	v32 =	vadd.s32 s10, v29;
	v28 =	vand.u32 $0xFFFFFF80, v23;
	v29 =	vld [tilespmem:s4+$0xFFFFFFF0];
	[tilespmem:v31+s5+$0x0] =	vst.idx.msk vm8, v0  }
0x4a: {  	v31 =	vand.u32 $0x7F, v19;
	v33 =	vadd.s32 s10, v28;
	v19 =	vand.u32 $0xFFFFFF80, v24;
	v28 =	vld [tilespmem:s4+$0x0];
	[tilespmem:v10+s5+$0x0] =	vst.idx.msk vm2, v0  }
0x4b: {  	v34 =	vand.u32 $0x7F, v20;
	v36 =	vadd.s32 s10, v19;
	v10 =	vand.u32 $0xFFFFFF80, v25;
	v35 =	vld [tilespmem:s4+$0x10];
	[tilespmem:v12+s5+$0x0] =	vst.idx.msk vm14, v0  }
0x4c: {  	v37 =	vand.u32 $0x7F, v23;
	v38 =	vadd.s32 s10, v10;
	v10 =	vand.u32 $0xFFFFFF80, v26;
	v39 =	vld [tilespmem:s4+$0x20];
	[tilespmem:v11+s5+$0x0] =	vst.idx.msk vm15, v0  }
0x4d: {  	v40 =	vand.u32 $0x7F, v24;
	v10 =	vadd.s32 s10, v10;
	v11 =	vand.u32 $0xFFFFFF80, v30;
	v41 =	vld [tilespmem:s4+$0x30];
	[tilespmem:v15+s5+$0x0] =	vst.idx.msk vm13, v0  }
0x4e: {  	v42 =	vand.u32 $0x7F, v25;
	v12 =	vadd.s32 s10, v11;
	v11 =	vand.u32 $0xFFFFFF80, v29;
	v43 =	vld [tilespmem:s4+$0x40];
	[tilespmem:v13+s5+$0x0] =	vst.idx.msk vm9, v0  }
0x4f: {  	v15 =	vand.u32 $0x7F, v26;
	v11 =	vadd.s32 s10, v11;
	v13 =	vand.u32 $0xFFFFFF80, v28;
	v26 =	vld [tilespmem:s4+$0x50];
	[tilespmem:v14+s5+$0x0] =	vst.idx.msk vm4, v0  }
0x50: {  	v20 =	vand.u32 $0x7F, v30;
	v13 =	vadd.s32 s9, v13;
	v14 =	vand.u32 $0xFFFFFF80, v35;
	v44 =	vld [tilespmem:s4+$0x60];
	[tilespmem:v16+s5+$0x0] =	vst.idx.msk vm10, v0  }
0x51: {  	v19 =	vand.u32 $0x7F, v29;
	v24 =	vld.msk [tilespmem:s8+$0xFFFFFFFF ss:$0x0], $0xffff;
	v14 =	vadd.s32 s9, v14;
	v16 =	vand.u32 $0xFFFFFF80, v39;
	[tilespmem:v17+s5+$0x0] =	vst.idx.msk vm7, v0  }
0x52: {  	v23 =	vand.u32 $0x7F, v28;
	v16 =	vadd.s32 s9, v16;
	v17 =	vand.u32 $0xFFFFFF80, v41;
	[tilespmem:v18+s5+$0x0] =	vst.idx.msk vm5, v0  }
0x53: {  	v25 =	vand.u32 $0x7F, v35;
	v17 =	vadd.s32 s9, v17;
	v18 =	vand.u32 $0xFFFFFF80, v43;
	[tilespmem:v21+s5+$0x0] =	vst.idx.msk vm3, v0  }
0x54: {  	v28 =	vand.u32 $0x7F, v39;
	v18 =	vadd.s32 s9, v18;
	v21 =	vand.u32 $0xFFFFFF80, v26;
	[tilespmem:v22+s5+$0x0] =	vst.idx.msk vm6, v0  }
0x55: {  	v29 =	vand.u32 $0x7F, v41;
	v21 =	vadd.s32 s9, v21;
	v22 =	vand.u32 $0xFFFFFF80, v44  }
.Ltmp1:
0x56: {  	v30 =	vand.u32 $0x7F, v43;
	v26 =	vand.u32 $0x7F, v26;
	v22 =	vadd.s32 s9, v22;
	(pc) =	sbr.rel @p0 .LBB2_3-.Ltmp1, $4  }
0x57: {  	v35 =	vor.u32 v31, v27;
	v27 =	vand.u32 $0x7F, v44;
	vm6 =	vgt.s32 v24, v7  }
0x58: {  	v34 =	vor.u32 v34, v32;
	vm13 =	vgt.s32 v24, v8;
	vm12 =	vgt.s32 v24, v6  }
0x59: {  	v33 =	vor.u32 v37, v33;
	v32 =	vor.u32 v40, v36;
	vm11 =	vgt.s32 v24, v5  }
0x5a: {  	v31 =	vor.u32 v42, v38;
	s8 =	sadd.s32 $0x2, s8;
	vm8 =	vgt.s32 v24, v4;
	vm2 =	vgt.s32 v24, v2  }
0x5b: {  	_ =	sdelay $0x4  }
0x5c: {  	v7 =	vor.u32 v15, v10;
	vm3 =	vgt.s32 v24, v1;
	[tilespmem:v35+s5+$0x0] =	vst.idx.msk vm6, v0  }
0x5d: {  	v8 =	vor.u32 v20, v12;
	vm4 =	vgt.s32 v24, v9;
	[tilespmem:v34+s5+$0x0] =	vst.idx.msk vm13, v0  }
0x5e: {  	vm0 =	vmmov vm0;
	v56 =	vor.u32 v19, v11;
	[tilespmem:v33+s5+$0x0] =	vst.idx.msk vm12, v0  }
0x5f: {  	vm1 =	vmmov vm1;
	v57 =	vor.u32 v23, v13;
	[tilespmem:v32+s5+$0x0] =	vst.idx.msk vm11, v0  }
0x60: {  	v58 =	vor.u32 v25, v14;
	vm5 =	vgt.s32 v3, v6;
	[tilespmem:v31+s5+$0x0] =	vst.idx.msk vm8, v0  }
0x61: {  	v59 =	vor.u32 v28, v16;
	vm12 =	vgt.s32 v3, v5;
	[tilespmem:v7+s5+$0x0] =	vst.idx.msk vm2, v0  }
0x62: {  	v60 =	vor.u32 v29, v17;
	vm13 =	vgt.s32 v3, v4;
	[tilespmem:v8+s5+$0x0] =	vst.idx.msk vm3, v0  }
0x63: {  	v61 =	vor.u32 v30, v18;
	vm14 =	vgt.s32 v3, v2;
	[tilespmem:v56+s5+$0x0] =	vst.idx.msk vm4, v0  }
0x64: {  	v62 =	vor.u32 v26, v21;
	vm15 =	vgt.s32 v3, v1;
	[tilespmem:v57+s5+$0x0] =	vst.idx.msk vm0, v0  }
0x65: {  	v63 =	vor.u32 v27, v22;
	[tilespmem:v58+s5+$0x0] =	vst.idx.msk vm1, v0  }
0x66: {  	[tilespmem:v59+s5+$0x0] =	vst.idx.msk vm5, v0  }
0x67: {  	[tilespmem:v60+s5+$0x0] =	vst.idx.msk vm12, v0  }
0x68: {  	[tilespmem:v61+s5+$0x0] =	vst.idx.msk vm13, v0  }
0x69: {  	s2 =	sadd.s32 s2, s3;
	[tilespmem:v62+s5+$0x0] =	vst.idx.msk vm14, v0  }
0x6a: {  	s30 =	simm.s32 $0x0;
	s4 =	simm.s32 $0x500;
	s31 =	simm.s32 $0x3;
	[tilespmem:v63+s5+$0x0] =	vst.idx.msk vm15, v0  }
0x6b: {  	[hbm4b:s2+s30] =	stream.linear.scatter [tilespmem:s4], [sflag:$0x3], $0x400, $0x38;
	[tilespmem:$0x900] =	vst v63  }
0x6c: {  	_ =	swait.ge [sflag:s31], $0x400  }
0x6d: {  	[sflag:s31] =	ssyncset.done $0x0  }
0x6e: {  	[sflag:s31] =	ssyncadd.s32 $0xFFFFFC00  }
0x6f: {  	_ =	sfence.sel $0x180000  }
0x70: {  	[bflag:$0x0] =	sbarrier.arrive $0xFFFF  }
0x71: {  	p0 =	sne.s32 s1, $0x0;
	_ =	strace $0x90000047  }
0x72: {  	s0 =	sadd.s32 @!p0 $0x100000, s0;
	[bflag:$0x2] =	sbarrier.arrive $0xFFFF  }
0x73: {  	[sflag:s0] =	ssyncadd.tile.s32 @!p0 $0x1;
	_ =	shalt  }
.Lfunc_end2:
_tile_overlayer_lowered:
.L_overlay_start_2:
0x74: {  	(tag) =	ssettag $0x2  }
0x75: {  	s0 =	rddreg [dreg:$0x0];
	s2 =	stileid.u32  }
0x76: {  	s1 =	rddreg [dreg:$0x1];
	p0 =	sne.s32 s2, $0x0  }
0x77: {  	s3 =	rddreg [dreg:$0x2];
	[bflag:$0x3] =	sbarrier.arrive $0xFFFF;
	s2 =	simm.s32 @!p0 $0x1C03  }
0x78: {  	[timem:s3], [sflag:s2] =	dma.local @!p0 [hbm:s0], s1  }
0x79: {  	s0 =	simm.s32 @!p0 $0x3  }
0x7a: {  	_ =	swait.ge @!p0 [sflag:s0], s1  }
0x7b: {  	s1 =	ssub.s32 @!p0 $0x0, s1;
	[sflag:s0] =	ssyncset.done @!p0 $0x0  }
0x7c: {  	[sflag:s0] =	ssyncadd.s32 @!p0 s1  }
0x7d: {  	[bflag:$0x3] =	sbarrier.arrive $0xFFFF  }
0x7e: {  	_ =	shalt  }

</sc_bundles>
